<compile_context>
chip_gen: v7x
topology: tpu7x:2x2x1
jax: 0.10.2.dev20260603
libtpu: 0.0.44.dev20260713+nightly
codegen_flags: <defaults>
</compile_context>

<pallas_src>
import functools

import jax
import jax.numpy as jnp
import numpy as np
from jax.experimental import pallas as pl
from jax.experimental.pallas import tpu as pltpu

PRE_NMS_TOP_N = 6000
POST_NMS_TOP_N = 1000
NMS_THRESH = 0.7
MIN_SIZE = 0.1
STRIDE = 16.0
ANCHOR_SIZES = (32.0, 64.0, 128.0, 256.0, 512.0)
ASPECT_RATIOS = (0.5, 1.0, 2.0)
BBOX_CLIP = float(np.log(1000.0 / 16.0))

NPAD = 6144
ROWS = NPAD // 128
OROWS = 1024 // 128


def _conv(x, w, b, pad):
    out = jax.lax.conv_general_dilated(x, w, window_strides=(1, 1),
                                       padding=[(pad, pad), (pad, pad)],
                                       dimension_numbers=('NCHW', 'OIHW', 'NCHW'))
    return out + b[None, :, None, None]


def _make_anchors(H, W):
    base = []
    for s in ANCHOR_SIZES:
        for r in ASPECT_RATIOS:
            w = s / np.sqrt(r)
            h = s * np.sqrt(r)
            base.append([-w / 2.0, -h / 2.0, w / 2.0, h / 2.0])
    base = jnp.asarray(np.array(base, dtype=np.float32))
    shift_x = jnp.arange(W, dtype=jnp.float32) * STRIDE
    shift_y = jnp.arange(H, dtype=jnp.float32) * STRIDE
    sy, sx = jnp.meshgrid(shift_y, shift_x, indexing='ij')
    shifts = jnp.stack([sx, sy, sx, sy], axis=-1)
    anchors = shifts[:, :, None, :] + base[None, None, :, :]
    return anchors.reshape(-1, 4)


def _nms_kernel(sc_ref, x1_ref, y1_ref, x2_ref, y2_ref, ki_ref):
    x1 = x1_ref[...]
    y1 = y1_ref[...]
    x2 = x2_ref[...]
    y2 = y2_ref[...]
    areas = (x2 - x1) * (y2 - y1)
    ii = (jax.lax.broadcasted_iota(jnp.int32, (ROWS, 128), 0) * 128
          + jax.lax.broadcasted_iota(jnp.int32, (ROWS, 128), 1))
    oi = (jax.lax.broadcasted_iota(jnp.int32, (OROWS, 128), 0) * 128
          + jax.lax.broadcasted_iota(jnp.int32, (OROWS, 128), 1))

    def step(t, carry):
        iim, ki = carry
        idx = jnp.min(iim)
        best = ii == idx
        bx1 = jnp.sum(jnp.where(best, x1, 0.0))
        by1 = jnp.sum(jnp.where(best, y1, 0.0))
        bx2 = jnp.sum(jnp.where(best, x2, 0.0))
        by2 = jnp.sum(jnp.where(best, y2, 0.0))
        barea = (bx2 - bx1) * (by2 - by1)
        xx1 = jnp.maximum(bx1, x1)
        yy1 = jnp.maximum(by1, y1)
        xx2 = jnp.minimum(bx2, x2)
        yy2 = jnp.minimum(by2, y2)
        inter = jnp.maximum(xx2 - xx1, 0.0) * jnp.maximum(yy2 - yy1, 0.0)
        iou = inter / (barea + areas - inter + 1e-10)
        iim = jnp.where((iou > NMS_THRESH) | best, jnp.int32(NPAD), iim)
        ki = jnp.where(oi == t, jnp.where(idx == NPAD, 0, idx), ki)
        return (iim, ki)

    iim0 = jnp.where(sc_ref[...] != -jnp.inf, ii, jnp.int32(NPAD))
    carry = (iim0, jnp.zeros((OROWS, 128), jnp.int32))
    _, ki = jax.lax.fori_loop(0, POST_NMS_TOP_N, step, carry)
    ki_ref[...] = ki


def _run_nms(sc, x1, y1, x2, y2):
    return pl.pallas_call(
        _nms_kernel,
        out_shape=jax.ShapeDtypeStruct((OROWS, 128), jnp.int32),
    )(sc, x1, y1, x2, y2)


def kernel(feats, im_shape, conv_w, conv_b, score_w, score_b, delta_w, delta_b):
    rpn_feat = jax.nn.relu(_conv(feats, conv_w, conv_b, 1))
    scores = _conv(rpn_feat, score_w, score_b, 0)
    deltas = _conv(rpn_feat, delta_w, delta_b, 0)
    H, W = feats.shape[2], feats.shape[3]
    anchors = _make_anchors(H, W)
    s = jnp.transpose(scores[0], (1, 2, 0)).reshape(-1)
    d = jnp.transpose(deltas[0], (1, 2, 0)).reshape(-1, 4)
    probs = jax.nn.sigmoid(s)
    k = min(PRE_NMS_TOP_N, probs.shape[0])
    topv, topi = jax.lax.top_k(probs, k)
    td = d[topi]
    ta = anchors[topi]
    aw = ta[:, 2] - ta[:, 0]
    ah = ta[:, 3] - ta[:, 1]
    acx = ta[:, 0] + 0.5 * aw
    acy = ta[:, 1] + 0.5 * ah
    dx, dy = td[:, 0], td[:, 1]
    dw = jnp.minimum(td[:, 2], BBOX_CLIP)
    dh = jnp.minimum(td[:, 3], BBOX_CLIP)
    pcx = dx * aw + acx
    pcy = dy * ah + acy
    pw = jnp.exp(dw) * aw
    ph = jnp.exp(dh) * ah
    h_img = im_shape[0, 0]
    w_img = im_shape[0, 1]
    x1 = jnp.clip(pcx - 0.5 * pw, 0.0, w_img)
    y1 = jnp.clip(pcy - 0.5 * ph, 0.0, h_img)
    x2 = jnp.clip(pcx + 0.5 * pw, 0.0, w_img)
    y2 = jnp.clip(pcy + 0.5 * ph, 0.0, h_img)
    valid = ((x2 - x1) >= MIN_SIZE) & ((y2 - y1) >= MIN_SIZE)
    sc = jnp.where(valid, topv, -jnp.inf)

    def padp(v, fill):
        return jnp.concatenate(
            [v, jnp.full((NPAD - k,), fill, v.dtype)]).reshape(ROWS, 128)

    ki = _run_nms(padp(sc, -jnp.inf), padp(x1, 0.0),
                  padp(y1, 0.0), padp(x2, 0.0), padp(y2, 0.0))
    keep = ki.reshape(-1)[:POST_NMS_TOP_N]
    rois = jnp.stack([x1, y1, x2, y2], axis=-1)[keep]
    rois_num = jnp.array([POST_NMS_TOP_N], dtype=jnp.int32)
    return rois, rois_num

# --- scband reference (transcript-rebuilt; emitter-appended) ---
"""Pipeline reference for scband-rpnhead-41377714929932 (READ-ONLY COPY).

The authoritative reference and input builder live on the scoring server;
editing this copy changes nothing except your own understanding.
"""

import jax, jax.numpy as jnp
import numpy as np

PRE_NMS_TOP_N = 6000
POST_NMS_TOP_N = 1000
NMS_THRESH = 0.7
MIN_SIZE = 0.1
STRIDE = 16.0
ANCHOR_SIZES = (32.0, 64.0, 128.0, 256.0, 512.0)
ASPECT_RATIOS = (0.5, 1.0, 2.0)
BBOX_CLIP = float(np.log(1000.0 / 16.0))


def _conv(x, w, b, pad):
    out = jax.lax.conv_general_dilated(x, w, window_strides=(1, 1),
                                       padding=[(pad, pad), (pad, pad)],
                                       dimension_numbers=('NCHW', 'OIHW', 'NCHW'))
    return out + b[None, :, None, None]


def _make_anchors(H, W):
    base = []
    for s in ANCHOR_SIZES:
        for r in ASPECT_RATIOS:
            w = s / np.sqrt(r)
            h = s * np.sqrt(r)
            base.append([-w / 2.0, -h / 2.0, w / 2.0, h / 2.0])
    base = jnp.asarray(np.array(base, dtype=np.float32))  # [A, 4]
    shift_x = jnp.arange(W, dtype=jnp.float32) * STRIDE
    shift_y = jnp.arange(H, dtype=jnp.float32) * STRIDE
    sy, sx = jnp.meshgrid(shift_y, shift_x, indexing='ij')
    shifts = jnp.stack([sx, sy, sx, sy], axis=-1)  # [H, W, 4]
    anchors = shifts[:, :, None, :] + base[None, None, :, :]  # [H, W, A, 4]
    return anchors.reshape(-1, 4)


def _nms(boxes, scores, thresh, max_out):
    x1, y1, x2, y2 = boxes[:, 0], boxes[:, 1], boxes[:, 2], boxes[:, 3]
    areas = (x2 - x1) * (y2 - y1)

    def step(sc, _):
        idx = jnp.argmax(sc)
        best = boxes[idx]
        xx1 = jnp.maximum(best[0], x1)
        yy1 = jnp.maximum(best[1], y1)
        xx2 = jnp.minimum(best[2], x2)
        yy2 = jnp.minimum(best[3], y2)
        inter = jnp.maximum(xx2 - xx1, 0.0) * jnp.maximum(yy2 - yy1, 0.0)
        iou = inter / (areas[idx] + areas - inter + 1e-10)
        sc = jnp.where(iou > thresh, -jnp.inf, sc)
        sc = sc.at[idx].set(-jnp.inf)
        return sc, idx

    _, keep = jax.lax.scan(step, scores, xs=None, length=max_out)
    return keep


def setup_inputs(seed: int = 0) -> dict:
    key = jax.random.key(seed)
    ks = jax.random.split(key, 6)
    C, A, H, W = 256, 15, 64, 64
    feats = jax.random.normal(ks[0], (1, C, H, W), dtype=jnp.float32)
    im_shape = jnp.ones((1, 2), dtype=jnp.float32) * 1024.0
    conv_w = jax.random.normal(ks[1], (C, C, 3, 3), dtype=jnp.float32) * 0.01
    conv_b = jnp.zeros((C,), dtype=jnp.float32)
    score_w = jax.random.normal(ks[2], (A, C, 1, 1), dtype=jnp.float32) * 0.01
    score_b = jnp.zeros((A,), dtype=jnp.float32)
    delta_w = jax.random.normal(ks[3], (4 * A, C, 1, 1), dtype=jnp.float32) * 0.01
    delta_b = jnp.zeros((4 * A,), dtype=jnp.float32)
    return {"feats": feats, "im_shape": im_shape, "conv_w": conv_w, "conv_b": conv_b,
            "score_w": score_w, "score_b": score_b, "delta_w": delta_w, "delta_b": delta_b}


def reference(feats, im_shape, conv_w, conv_b, score_w, score_b, delta_w, delta_b):
    # RPNFeat: 3x3 conv + relu
    rpn_feat = jax.nn.relu(_conv(feats, conv_w, conv_b, 1))
    # 1x1 heads
    scores = _conv(rpn_feat, score_w, score_b, 0)   # [1, A, H, W]
    deltas = _conv(rpn_feat, delta_w, delta_b, 0)   # [1, 4A, H, W]
    H, W = feats.shape[2], feats.shape[3]
    anchors = _make_anchors(H, W)                    # [H*W*A, 4]
    # NHWC-flatten to match anchor layout
    s = jnp.transpose(scores[0], (1, 2, 0)).reshape(-1)        # [N]
    d = jnp.transpose(deltas[0], (1, 2, 0)).reshape(-1, 4)     # [N, 4]
    probs = jax.nn.sigmoid(s)
    k = min(PRE_NMS_TOP_N, probs.shape[0])
    topv, topi = jax.lax.top_k(probs, k)
    td = d[topi]
    ta = anchors[topi]
    # delta2bbox decode
    aw = ta[:, 2] - ta[:, 0]
    ah = ta[:, 3] - ta[:, 1]
    acx = ta[:, 0] + 0.5 * aw
    acy = ta[:, 1] + 0.5 * ah
    dx, dy = td[:, 0], td[:, 1]
    dw = jnp.minimum(td[:, 2], BBOX_CLIP)
    dh = jnp.minimum(td[:, 3], BBOX_CLIP)
    pcx = dx * aw + acx
    pcy = dy * ah + acy
    pw = jnp.exp(dw) * aw
    ph = jnp.exp(dh) * ah
    h_img = im_shape[0, 0]
    w_img = im_shape[0, 1]
    x1 = jnp.clip(pcx - 0.5 * pw, 0.0, w_img)
    y1 = jnp.clip(pcy - 0.5 * ph, 0.0, h_img)
    x2 = jnp.clip(pcx + 0.5 * pw, 0.0, w_img)
    y2 = jnp.clip(pcy + 0.5 * ph, 0.0, h_img)
    boxes = jnp.stack([x1, y1, x2, y2], axis=-1)
    valid = ((x2 - x1) >= MIN_SIZE) & ((y2 - y1) >= MIN_SIZE)
    sc = jnp.where(valid, topv, -jnp.inf)
    keep = _nms(boxes, sc, NMS_THRESH, POST_NMS_TOP_N)
    rois = boxes[keep]
    rois_num = jnp.array([POST_NMS_TOP_N], dtype=jnp.int32)
    return rois, rois_num

if __name__ == "__main__":
    import jax
    _d = setup_inputs()
    print(jax.jit(kernel)(*tuple(_d.values())))

</pallas_src>

<mosaic_0001>
module attributes {stable_mosaic.version = 14 : i64} {
  func.func @_nms_kernel(%arg0: memref<48x128xf32, #tpu.memory_space<vmem>>, %arg1: memref<48x128xf32, #tpu.memory_space<vmem>>, %arg2: memref<48x128xf32, #tpu.memory_space<vmem>>, %arg3: memref<48x128xf32, #tpu.memory_space<vmem>>, %arg4: memref<48x128xf32, #tpu.memory_space<vmem>>, %arg5: memref<8x128xi32, #tpu.memory_space<vmem>>) attributes {dimension_semantics = [], scalar_prefetch = 0 : i64, scratch_operands = 0 : i64, tpu.core_type = #tpu.core_type<tc>} {
    %get3A = arith.constant 0 : index
    %get3A_0 = arith.constant 0 : index
    %get3A_1 = vector.load %arg1[%get3A, %get3A_0] : memref<48x128xf32, #tpu.memory_space<vmem>>, vector<48x128xf32>
    %get3A_2 = arith.constant 0 : index
    %get3A_3 = arith.constant 0 : index
    %get3A_4 = vector.load %arg2[%get3A_2, %get3A_3] : memref<48x128xf32, #tpu.memory_space<vmem>>, vector<48x128xf32>
    %get3A_5 = arith.constant 0 : index
    %get3A_6 = arith.constant 0 : index
    %get3A_7 = vector.load %arg3[%get3A_5, %get3A_6] : memref<48x128xf32, #tpu.memory_space<vmem>>, vector<48x128xf32>
    %get3A_8 = arith.constant 0 : index
    %get3A_9 = arith.constant 0 : index
    %get3A_10 = vector.load %arg4[%get3A_8, %get3A_9] : memref<48x128xf32, #tpu.memory_space<vmem>>, vector<48x128xf32>
    %sub3A = arith.subf %get3A_7, %get3A_1 : vector<48x128xf32>
    %sub3A_11 = arith.subf %get3A_10, %get3A_4 : vector<48x128xf32>
    %mul3A = arith.mulf %sub3A, %sub3A_11 : vector<48x128xf32>
    %iota3A = tpu.iota {dimensions = array<i32: 0>} : vector<48x128xi32>
    %mul3A_12 = arith.constant 128 : i32
    %mul3A_13 = vector.broadcast %mul3A_12 : i32 to vector<48x128xi32>
    %mul3A_14 = arith.muli %iota3A, %mul3A_13 : vector<48x128xi32>
    %iota3A_15 = tpu.iota {dimensions = array<i32: 1>} : vector<48x128xi32>
    %add3A = arith.addi %mul3A_14, %iota3A_15 : vector<48x128xi32>
    %iota3A_16 = tpu.iota {dimensions = array<i32: 0>} : vector<8x128xi32>
    %mul3A_17 = arith.constant 128 : i32
    %mul3A_18 = vector.broadcast %mul3A_17 : i32 to vector<8x128xi32>
    %mul3A_19 = arith.muli %iota3A_16, %mul3A_18 : vector<8x128xi32>
    %iota3A_20 = tpu.iota {dimensions = array<i32: 1>} : vector<8x128xi32>
    %add3A_21 = arith.addi %mul3A_19, %iota3A_20 : vector<8x128xi32>
    %get3A_22 = arith.constant 0 : index
    %get3A_23 = arith.constant 0 : index
    %get3A_24 = vector.load %arg0[%get3A_22, %get3A_23] : memref<48x128xf32, #tpu.memory_space<vmem>>, vector<48x128xf32>
    %ne3A = arith.constant 0xFF800000 : f32
    %ne3A_25 = vector.broadcast %ne3A : f32 to vector<48x128xf32>
    %ne3A_26 = arith.cmpf one, %get3A_24, %ne3A_25 : vector<48x128xf32>
    %jit3A = arith.constant 6144 : i32
    %broadcast_in_dim3A = vector.broadcast %jit3A : i32 to vector<48x128xi32>
    %select_n3A = arith.select %ne3A_26, %add3A, %broadcast_in_dim3A : vector<48x128xi1>, vector<48x128xi32>
    %broadcast_in_dim3A_27 = arith.constant 0 : i32
    %broadcast_in_dim3A_28 = vector.broadcast %broadcast_in_dim3A_27 : i32 to vector<8x128xi32>
    %scan3A = arith.constant 0 : i32
    %scan3A_29 = arith.constant 1000 : i32
    %scan3A_30 = arith.addi %scan3A, %scan3A_29 : i32
    %scan3A_31 = arith.constant 1 : i32
    %scan3A_32:2 = scf.for %scan3A_36 = %scan3A to %scan3A_30 step %scan3A_31 iter_args(%scan3A_37 = %select_n3A, %scan3A_38 = %broadcast_in_dim3A_28) -> (vector<48x128xi32>, vector<8x128xi32>)  : i32 {
      %reduce_min3A = vector.shape_cast %scan3A_37 : vector<48x128xi32> to vector<1x48x128xi32>
      %reduce_min3A_39 = arith.constant dense<2147483647> : vector<1xi32>
      %reduce_min3A_40 = vector.multi_reduction <minsi>, %reduce_min3A, %reduce_min3A_39 [1, 2] : vector<1x48x128xi32> to vector<1xi32>
      %reduce_min3A_41 = vector.shape_cast %reduce_min3A_40 : vector<1xi32> to vector<1x1x1xi32>
      %reduce_min3A_42 = vector.extract %reduce_min3A_41[0, 0, 0] : i32 from vector<1x1x1xi32>
      %eq3A = vector.broadcast %reduce_min3A_42 : i32 to vector<48x128xi32>
      %eq3A_43 = arith.cmpi eq, %add3A, %eq3A : vector<48x128xi32>
      %jit3A_44 = arith.constant 0.000000e+00 : f32
      %broadcast_in_dim3A_45 = vector.broadcast %jit3A_44 : f32 to vector<48x128xf32>
      %select_n3A_46 = arith.select %eq3A_43, %get3A_1, %broadcast_in_dim3A_45 : vector<48x128xi1>, vector<48x128xf32>
      %reduce_sum3A = vector.shape_cast %select_n3A_46 : vector<48x128xf32> to vector<1x48x128xf32>
      %reduce_sum3A_47 = arith.constant dense<0.000000e+00> : vector<1xf32>
      %reduce_sum3A_48 = vector.multi_reduction <add>, %reduce_sum3A, %reduce_sum3A_47 [1, 2] : vector<1x48x128xf32> to vector<1xf32>
      %reduce_sum3A_49 = vector.shape_cast %reduce_sum3A_48 : vector<1xf32> to vector<1x1x1xf32>
      %reduce_sum3A_50 = vector.extract %reduce_sum3A_49[0, 0, 0] : f32 from vector<1x1x1xf32>
      %jit3A_51 = arith.constant 0.000000e+00 : f32
      %broadcast_in_dim3A_52 = vector.broadcast %jit3A_51 : f32 to vector<48x128xf32>
      %select_n3A_53 = arith.select %eq3A_43, %get3A_4, %broadcast_in_dim3A_52 : vector<48x128xi1>, vector<48x128xf32>
      %reduce_sum3A_54 = vector.shape_cast %select_n3A_53 : vector<48x128xf32> to vector<1x48x128xf32>
      %reduce_sum3A_55 = arith.constant dense<0.000000e+00> : vector<1xf32>
      %reduce_sum3A_56 = vector.multi_reduction <add>, %reduce_sum3A_54, %reduce_sum3A_55 [1, 2] : vector<1x48x128xf32> to vector<1xf32>
      %reduce_sum3A_57 = vector.shape_cast %reduce_sum3A_56 : vector<1xf32> to vector<1x1x1xf32>
      %reduce_sum3A_58 = vector.extract %reduce_sum3A_57[0, 0, 0] : f32 from vector<1x1x1xf32>
      %jit3A_59 = arith.constant 0.000000e+00 : f32
      %broadcast_in_dim3A_60 = vector.broadcast %jit3A_59 : f32 to vector<48x128xf32>
      %select_n3A_61 = arith.select %eq3A_43, %get3A_7, %broadcast_in_dim3A_60 : vector<48x128xi1>, vector<48x128xf32>
      %reduce_sum3A_62 = vector.shape_cast %select_n3A_61 : vector<48x128xf32> to vector<1x48x128xf32>
      %reduce_sum3A_63 = arith.constant dense<0.000000e+00> : vector<1xf32>
      %reduce_sum3A_64 = vector.multi_reduction <add>, %reduce_sum3A_62, %reduce_sum3A_63 [1, 2] : vector<1x48x128xf32> to vector<1xf32>
      %reduce_sum3A_65 = vector.shape_cast %reduce_sum3A_64 : vector<1xf32> to vector<1x1x1xf32>
      %reduce_sum3A_66 = vector.extract %reduce_sum3A_65[0, 0, 0] : f32 from vector<1x1x1xf32>
      %jit3A_67 = arith.constant 0.000000e+00 : f32
      %broadcast_in_dim3A_68 = vector.broadcast %jit3A_67 : f32 to vector<48x128xf32>
      %select_n3A_69 = arith.select %eq3A_43, %get3A_10, %broadcast_in_dim3A_68 : vector<48x128xi1>, vector<48x128xf32>
      %reduce_sum3A_70 = vector.shape_cast %select_n3A_69 : vector<48x128xf32> to vector<1x48x128xf32>
      %reduce_sum3A_71 = arith.constant dense<0.000000e+00> : vector<1xf32>
      %reduce_sum3A_72 = vector.multi_reduction <add>, %reduce_sum3A_70, %reduce_sum3A_71 [1, 2] : vector<1x48x128xf32> to vector<1xf32>
      %reduce_sum3A_73 = vector.shape_cast %reduce_sum3A_72 : vector<1xf32> to vector<1x1x1xf32>
      %reduce_sum3A_74 = vector.extract %reduce_sum3A_73[0, 0, 0] : f32 from vector<1x1x1xf32>
      %sub3A_75 = arith.subf %reduce_sum3A_66, %reduce_sum3A_50 : f32
      %sub3A_76 = arith.subf %reduce_sum3A_74, %reduce_sum3A_58 : f32
      %mul3A_77 = arith.mulf %sub3A_75, %sub3A_76 : f32
      %max3A = vector.broadcast %reduce_sum3A_50 : f32 to vector<48x128xf32>
      %max3A_78 = arith.maximumf %max3A, %get3A_1 : vector<48x128xf32>
      %max3A_79 = vector.broadcast %reduce_sum3A_58 : f32 to vector<48x128xf32>
      %max3A_80 = arith.maximumf %max3A_79, %get3A_4 : vector<48x128xf32>
      %min3A = vector.broadcast %reduce_sum3A_66 : f32 to vector<48x128xf32>
      %min3A_81 = arith.minimumf %min3A, %get3A_7 : vector<48x128xf32>
      %min3A_82 = vector.broadcast %reduce_sum3A_74 : f32 to vector<48x128xf32>
      %min3A_83 = arith.minimumf %min3A_82, %get3A_10 : vector<48x128xf32>
      %sub3A_84 = arith.subf %min3A_81, %max3A_78 : vector<48x128xf32>
      %max3A_85 = arith.constant 0.000000e+00 : f32
      %max3A_86 = vector.broadcast %max3A_85 : f32 to vector<48x128xf32>
      %max3A_87 = arith.maximumf %sub3A_84, %max3A_86 : vector<48x128xf32>
      %sub3A_88 = arith.subf %min3A_83, %max3A_80 : vector<48x128xf32>
      %max3A_89 = arith.constant 0.000000e+00 : f32
      %max3A_90 = vector.broadcast %max3A_89 : f32 to vector<48x128xf32>
      %max3A_91 = arith.maximumf %sub3A_88, %max3A_90 : vector<48x128xf32>
      %mul3A_92 = arith.mulf %max3A_87, %max3A_91 : vector<48x128xf32>
      %add3A_93 = vector.broadcast %mul3A_77 : f32 to vector<48x128xf32>
      %add3A_94 = arith.addf %add3A_93, %mul3A : vector<48x128xf32>
      %sub3A_95 = arith.subf %add3A_94, %mul3A_92 : vector<48x128xf32>
      %add3A_96 = arith.constant 1.000000e-10 : f32
      %add3A_97 = vector.broadcast %add3A_96 : f32 to vector<48x128xf32>
      %add3A_98 = arith.addf %sub3A_95, %add3A_97 : vector<48x128xf32>
      %div3A = arith.divf %mul3A_92, %add3A_98 : vector<48x128xf32>
      %gt3A = arith.constant 0.699999988 : f32
      %gt3A_99 = vector.broadcast %gt3A : f32 to vector<48x128xf32>
      %gt3A_100 = arith.cmpf ogt, %div3A, %gt3A_99 : vector<48x128xf32>
      %or3A = arith.ori %gt3A_100, %eq3A_43 : vector<48x128xi1>
      %jit3A_101 = arith.constant 6144 : i32
      %broadcast_in_dim3A_102 = vector.broadcast %jit3A_101 : i32 to vector<48x128xi32>
      %select_n3A_103 = arith.select %or3A, %broadcast_in_dim3A_102, %scan3A_37 : vector<48x128xi1>, vector<48x128xi32>
      %eq3A_104 = vector.broadcast %scan3A_36 : i32 to vector<8x128xi32>
      %eq3A_105 = arith.cmpi eq, %add3A_21, %eq3A_104 : vector<8x128xi32>
      %eq3A_106 = arith.constant 6144 : i32
      %eq3A_107 = arith.cmpi eq, %reduce_min3A_42, %eq3A_106 : i32
      %jit3A_108 = arith.constant 0 : i32
      %select_n3A_109 = arith.select %eq3A_107, %jit3A_108, %reduce_min3A_42 : i32
      %broadcast_in_dim3A_110 = vector.broadcast %select_n3A_109 : i32 to vector<8x128xi32>
      %select_n3A_111 = arith.select %eq3A_105, %broadcast_in_dim3A_110, %scan3A_38 : vector<8x128xi1>, vector<8x128xi32>
      scf.yield %select_n3A_103, %select_n3A_111 : vector<48x128xi32>, vector<8x128xi32>
    }
    %scan3A_33 = arith.constant 1000 : i32
    %swap3A = arith.constant 0 : index
    %swap3A_34 = arith.constant 0 : index
    %swap3A_35 = vector.load %arg5[%swap3A, %swap3A_34] : memref<8x128xi32, #tpu.memory_space<vmem>>, vector<8x128xi32>
    tpu.vector_store %arg5[%swap3A, %swap3A_34], %scan3A_32#1 {strides = array<i32>} : memref<8x128xi32, #tpu.memory_space<vmem>>, vector<8x128xi32>,
    return
  }
}

</mosaic_0001>

<sc_bundles>
// kernel: gather_offload_async_start.1
scs
__scs_entry_jumppad:
0x0: {  	(pc) =	sbr.rel $0x88, $3  }
0x1: {  	(tag) =	ssettag $0x0;
	lr =	simm.s32 $0x1  }
0x2: {  	[smem:$0x3F99] =	sst lr;
	_ =	strace $0xD0000000  }
0x3: {  	_ = 	snop  }
0x4: {  	_ = 	snop  }
0x5: {  	_ = 	snop  }
0x6: {  	_ = 	snop  }
0x7: {  	_ = 	snop  }
__scs_overlays_trampoline_lowered:
0x8: {  	[smem:$0x3FA8] =	sst s0  }
0x9: {  	[smem:$0x3FA9] =	sst s1  }
0xa: {  	[smem:$0x3FAA] =	sst s2  }
0xb: {  	[smem:$0x3FAB] =	sst s3  }
0xc: {  	[smem:$0x3FAC] =	sst s4  }
0xd: {  	[smem:$0x3FAD] =	sst s5  }
0xe: {  	[smem:$0x3FAE] =	sst s6  }
0xf: {  	[smem:$0x3FAF] =	sst s7  }
0x10: {  	[smem:$0x3FB0] =	sst s8  }
0x11: {  	[smem:$0x3FB1] =	sst s9;
	s0 =	simm.s32 @!p0 $0x0  }
0x12: {  	s1 =	sld [smem:$0x3F97];
	s0 =	simm.s32 @p0 $0x1  }
0x13: {  	[smem:$0x3FB2] =	sst s0;
	s0 =	simm.s32 @!p1 $0x0  }
0x14: {  	s2 =	sld [smem:$0x3F96];
	s0 =	simm.s32 @p1 $0x1  }
0x15: {  	[smem:$0x3FB3] =	sst s0;
	s0 =	simm.s32 @!p2 $0x0  }
0x16: {  	s3 =	sld [smem:$0x3FDB];
	s0 =	simm.s32 @p2 $0x1  }
0x17: {  	s4 =	simm.s32 $0x1BF5;
	[smem:$0x3FB5] =	sst s0  }
0x18: {  	s0 =	sld [smem:$0x3F98];
	_ =	swait.ge [sflag:s4], $0x0  }
0x19: {  	s7 =	sld [smem:$0x3F99]  }
0x1a: {  	s8 =	sadd.s32 $0xFFFFE003, lr  }
0x1b: {  	s9 =	sadd.s32 $0xFFFFFEF7, lr;
	s5 =	simm.s32 $0xFFFFFFFF;
	p2 =	slt.u32 s8, $0xFFFFF086  }
0x1c: {  	p1 =	slt.u32 s9, $0xF7A;
	s5 =	simm.s32 @!p2 $0x0  }
0x1d: {  	s5 =	simm.s32 @p1 $0x1;
	p0 =	seq.s32 s7, s2  }
0x1e: {  	s7 =	smul.u32 @!p0 $0xF7A, s2;
	p2 =	seq.s32 @!p0 s5, $0x0  }
0x1f: {  	s9 =	smul.u32 $0xF7A, s1;
	s8 =	simm.s32 @!p0 $0x1BF5;
	p2 =	por !p2, p0  }
0x20: {  	[sflag:s8] =	ssyncset.s32 @!p0 $0xFFFFF086;
	s6 =	sadd.s32 @!p0 s3, s7;
	s7 =	simm.s32 @!p0 $0x108  }
0x21: {  	s3 =	sadd.s32 s3, s9;
	s6 =	sadd.s32 @!p0 $0x88, s6;
	s7 =	simm.s32 @p2 $0x1082  }
0x22: {  	[simem:s7], [sflag:s8] =	dma.local @!p0 [hbm:s6], $0xF7A  }
0x23: {  	s9 =	sor.u32 $0xD0000000, s2;
	s6 =	simm.s32 $0x108;
	_ =	swait.ge @!p0 [sflag:s8], $0x0  }
0x24: {  	s3 =	sadd.s32 $0x88, s3;
	s6 =	simm.s32 @!p1 $0x1082;
	[sflag:s4] =	ssyncset.s32 $0xFFFFF086  }
0x25: {  	[simem:s6], [sflag:s4] =	dma.local [hbm:s3], $0xF7A  }
0x26: {  	[smem:$0x3F99] =	sst s1;
	(tag) =	ssettag s2;
	_ =	strace s9  }
0x27: {  	s1 =	sld [smem:$0x3FA9]  }
0x28: {  	s2 =	sld [smem:$0x3FAA]  }
0x29: {  	s4 =	sld [smem:$0x3FAC]  }
0x2a: {  	p0 =	seq.s32 s5, $0x0;
	s5 =	sld [smem:$0x3FAD]  }
0x2b: {  	s6 =	sld [smem:$0x3FAE]  }
0x2c: {  	s7 =	sld [smem:$0x3FAF]  }
0x2d: {  	s3 =	simm.s32 $0x108;
	s8 =	sld [smem:$0x3FB0]  }
0x2e: {  	s3 =	simm.s32 @!p0 $0x1082;
	s9 =	sld [smem:$0x3FB1]  }
0x2f: {  	lr =	sadd.s32 s0, s3;
	s0 =	sld [smem:$0x3FA8]  }
0x30: {  	s3 =	sld [smem:$0x3FAB]  }
0x31: {  	[smem:$0x3FB4] =	sst s10  }
0x32: {  	s10 =	sld [smem:$0x3FB2];
	_ =	sdelay $0x3  }
0x33: {  	p0 =	seq.s32 s10, $0x1;
	s10 =	sld [smem:$0x3FB4];
	_ =	sdelay $0x3  }
0x34: {  	[smem:$0x3FB4] =	sst s10  }
0x35: {  	s10 =	sld [smem:$0x3FB3];
	_ =	sdelay $0x3  }
0x36: {  	p1 =	seq.s32 s10, $0x1;
	s10 =	sld [smem:$0x3FB4];
	_ =	sdelay $0x3  }
0x37: {  	[smem:$0x3FB4] =	sst s10  }
0x38: {  	s10 =	sld [smem:$0x3FB5]  }
0x39: {  	_ = 	snop;
	(pc) =	sbr.ind lr, $3  }
0x3a: {  	_ = 	snop  }
0x3b: {  	_ = 	snop  }
0x3c: {  	p2 =	seq.s32 s10, $0x1;
	s10 =	sld [smem:$0x3FB4]  }
0x3d: {  	_ =	shalt  }
0x3e: {  	_ =	shalt  }
0x3f: {  	_ =	shalt  }
0x40: {  	_ =	shalt  }
0x41: {  	_ =	shalt  }
0x42: {  	_ =	shalt  }
0x43: {  	_ =	shalt  }
0x44: {  	_ =	shalt  }
0x45: {  	_ =	shalt  }
0x46: {  	_ =	shalt  }
0x47: {  	_ =	shalt  }
0x48: {  	_ =	shalt  }
0x49: {  	_ =	shalt  }
0x4a: {  	_ =	shalt  }
0x4b: {  	_ =	shalt  }
0x4c: {  	_ =	shalt  }
0x4d: {  	_ =	shalt  }
0x4e: {  	_ =	shalt  }
0x4f: {  	_ =	shalt  }
0x50: {  	_ =	shalt  }
0x51: {  	_ =	shalt  }
0x52: {  	_ =	shalt  }
0x53: {  	_ =	shalt  }
0x54: {  	_ =	shalt  }
0x55: {  	_ =	shalt  }
0x56: {  	_ =	shalt  }
0x57: {  	_ =	shalt  }
0x58: {  	_ =	shalt  }
0x59: {  	_ =	shalt  }
0x5a: {  	_ =	shalt  }
0x5b: {  	_ =	shalt  }
0x5c: {  	_ =	shalt  }
0x5d: {  	_ =	shalt  }
0x5e: {  	_ =	shalt  }
0x5f: {  	_ =	shalt  }
0x60: {  	_ =	shalt  }
0x61: {  	_ =	shalt  }
0x62: {  	_ =	shalt  }
0x63: {  	_ =	shalt  }
0x64: {  	_ =	shalt  }
0x65: {  	_ =	shalt  }
0x66: {  	_ =	shalt  }
0x67: {  	_ =	shalt  }
0x68: {  	_ =	shalt  }
0x69: {  	_ =	shalt  }
0x6a: {  	_ =	shalt  }
0x6b: {  	_ =	shalt  }
0x6c: {  	_ =	shalt  }
0x6d: {  	_ =	shalt  }
0x6e: {  	_ =	shalt  }
0x6f: {  	_ =	shalt  }
0x70: {  	_ =	shalt  }
0x71: {  	_ =	shalt  }
0x72: {  	_ =	shalt  }
0x73: {  	_ =	shalt  }
0x74: {  	_ =	shalt  }
0x75: {  	_ =	shalt  }
0x76: {  	_ =	shalt  }
0x77: {  	_ =	shalt  }
0x78: {  	_ =	shalt  }
0x79: {  	_ =	shalt  }
0x7a: {  	_ =	shalt  }
0x7b: {  	_ =	shalt  }
0x7c: {  	_ =	shalt  }
0x7d: {  	_ =	shalt  }
0x7e: {  	_ =	shalt  }
0x7f: {  	_ =	shalt  }
0x80: {  	_ =	shalt  }
0x81: {  	_ =	shalt  }
0x82: {  	_ =	shalt  }
0x83: {  	_ =	shalt  }
0x84: {  	_ =	shalt  }
0x85: {  	_ =	shalt  }
0x86: {  	_ =	shalt  }
0x87: {  	_ =	shalt  }
.Lfunc_end0:
.L_simem_size_0:
called_computation.1_lowered:
.L_overlay_start_0:
0x88: {  	s0 =	sld [smem:$0x3FD9]  }
0x89: {  	s1 =	sld [smem:$0x3FFE];
	_ =	sdelay $0x3  }
0x8a: {  	s0 =	sadd.s32 s1, s0  }
0x8b: {  	[smem:$0x3FC0] =	sst s0  }
0x8c: {  	_ = 	snop  }
0x8d: {  	(tm) =	ssettm $0x1  }
0x8e: {  	s15 =	sld [smem:$0x3FFB];
	_ =	sdelay $0x3  }
0x8f: {  	_ =	strace s15  }
0x90: {  	s0 =	sld [smem:$0x3FFC];
	_ =	sdelay $0x3  }
0x91: {  	_ =	strace s0  }
0x92: {  	s0 =	sld [smem:$0x3FFD];
	_ =	sdelay $0x3  }
0x93: {  	_ =	strace s0  }
0x94: {  	_ =	strace $0x8FFFFFFF  }
0x95: {  	s16 =	sld [smem:$0x3FDB];
	_ =	sdelay $0x1  }
0x96: {  	s17 =	simm.s32 $_scs_section_size  }
0x97: {  	s2 =	simm.s32 $_size__tile_overlayer_lowered;
	s3 =	simm.s32 $_tile_overlayer_lowered  }
0x98: {  	s20 =	simm.s32 $0x1BFF;
	s19 =	sshll.u32 s3, $0x1;
	s0 =	sadd.s32 s17, s16  }
0x99: {  	s4 =	simm.s32 $0x0;
	s18 =	sshll.u32 s2, $0x1;
	s2 =	sadd.s32 s19, s0  }
0x9a: {  	[timem:s4], [sflag:s20] =	dma.local [hbm:s2], s18  }
0x9b: {  	_ =	swait.ge [sflag:s20], s18  }
0x9c: {  	s1 =	ssub.s32 $0x0, s18;
	[sflag:s20] =	ssyncset.done $0x0  }
0x9d: {  	[sflag:s20] =	ssyncadd.s32 s1;
	_ =	sdelay $0x1  }
0x9e: {  	s21 =	simm.s32 $0x1B8B  }
0x9f: {  	_ =	swait.ge [sflag:s21], $0x1  }
0xa0: {  	[sflag:s21] =	ssyncset.done $0x0  }
0xa1: {  	s23 =	simm.s32 $0x1B8E;
	s22 =	sld [smem:$0x3FFE];
	[sflag:s21] =	ssyncadd.s32 $0xFFFFFFFF  }
0xa2: {  	s24 =	simm.s32 $execute0_lowered;
	[smem:$0x3FD2] =	sst s23  }
0xa3: {  	s2 =	sshll.u32 s24, $0x1;
	_ =	strace $0x80000049;
	[dreg:$0x1] =	wrdreg $0xFFFFFFFF  }
0xa4: {  	s25 =	simm.s32 $_size_execute0_lowered;
	s0 =	sadd.s32 s0, s2;
	[dreg:$0x0] =	wrdreg $0x0  }
0xa5: {  	s2 =	sshll.u32 s25, $0x1;
	[dreg:$0x2] =	wrdreg s0  }
0xa6: {  	[dreg:$0x3] =	wrdreg s2  }
0xa7: {  	[dreg:$0x4] =	wrdreg $0xC0  }
0xa8: {  	_ =	task [dreg:s4], $0x5FFFF  }
0xa9: {  	[dreg:$0x1] =	wrdreg $0xFFFFFFFF  }
0xaa: {  	[dreg:$0x0] =	wrdreg $0x60  }
0xab: {  	[dreg:$0x2] =	wrdreg s22  }
0xac: {  	[dreg:$0x3] =	wrdreg $0xA  }
0xad: {  	_ =	task.clear_ibuf [dreg:s4], $0x4FFFF;
	_ =	strace $0x90000049  }
0xae: {  	s26 =	simm.s32 $0xA;
	_ =	strace $0x8000004B  }
0xaf: {  	_ =	swait.ge [sflag:s26], $0x1  }
0xb0: {  	[sflag:s26] =	ssyncadd.s32 $0xFFFFFFFF  }
0xb1: {  	_ =	strace $0x9000004B  }
0xb2: {  	_ =	sfence  }
0xb3: {  	s28 =	sld [smem:$0x0];
	_ =	sdelay $0x1  }
0xb4: {  	s29 =	srdreg.scid  }
0xb5: {  	s30 =	sshll.u32 s29, $0xD;
	s31 =	sshrl.u32 s29, $0x2  }
0xb6: {  	s1 =	sand.u32 $0x1, s29;
	s2 =	sand.u32 $0x4000, s30;
	s0 =	sadd.s32 s31, s28  }
0xb7: {  	s1 =	sor.u32 s2, s1;
	s0 =	sshll.u32 s0, $0x11  }
0xb8: {  	s0 =	sor.u32 s0, s1  }
0xb9: {  	s0 =	sadd.s32 $0x8F2B, s0  }
0xba: {  	[sflag:s0] =	ssyncadd.remote.s32 $0x1  }
0xbb: {  	_ =	sfence.sel $0xFFFF  }
0xbc: {  	[dreg:$0x0] =	wrdreg $0xFFFFFFFF;
	(pc) =	sbr.abs _section_cstart, $3  }
0xbd: {  	[dreg:$0x1] =	wrdreg $0xFFFFFFFF  }
0xbe: {  	_ =	task.clear_ibuf [dreg:s4], $0x2FFFF;
	_ =	strace $0x9FFFFFFF  }
0xbf: {  	(tm) =	ssettm $0x7FFFFFFF  }
tec
execute0_lowered:
.L_overlay_start_1:
0x0: {  	(tag) =	ssettag $0x1  }
0x1: {  	s0 =	stileid.u32  }
0x2: {  	s1 =	smin.u32 s0, $0xE  }
0x3: {  	s1 =	sadd.s32 s0, s1  }
0x4: {  	s2 =	simm.s32 $0x190;
	p0 =	slt.u32 s0, $0xE;
	s1 =	smul.u32 $0xC8, s1  }
0x5: {  	s2 =	simm.s32 @!p0 $0xC8  }
0x6: {  	s2 =	sadd.s32 s2, s1  }
0x7: {  	s3 =	smin.u32 s2, $0x1770  }
0x8: {  	s7 =	ssub.s32 s3, s1  }
0x9: {  	p0 =	sgt.s32 s7, $0x0  }
0xa: {  	s7 =	simm.s32 @!p0 $0x0  }
0xb: {  	s31 =	sand.u32 $0xFFF8, s7  }
0xc: {  	s2 =	sshrl.u32 s31, $0x3  }
0xd: {  	s2 =	smul.u32 $0x147B, s2  }
0xe: {  	s4 =	rddreg [dreg:$0x0];
	s6 =	simm.s32 $0x1  }
0xf: {  	s10 =	simm.s32 $0x3;
	s13 =	simm.s32 $0x0;
	s8 =	sshrl.u32 s2, $0x11  }
0x10: {  	s12 =	simm.s32 $0x0;
	s5 =	sadd.s32 $0x107C00, s4;
	s9 =	smul.u32 $0xC8, s8  }
.Ltmp0:
0x11: {  	s11 =	smov.u32 s1;
	s2 =	rddreg [dreg:$0x1];
	(pc) =	sbr.rel .LBB2_1-.Ltmp0, $4  }
0x12: {  	_ =	strace $0x8000004A;
	p0 =	sne.s32 s7, s9;
	s9 =	simm.s32 $0x1  }
0x13: {  	[sflag:s6] =	ssyncpa.u1 $0x0;
	s7 =	simm.s32 $0x2;
	s9 =	simm.s32 @!p0 $0x0  }
0x14: {  	[sflag:s7] =	ssyncpa.u1 $0x0;
	p0 =	por $0x0, $0x0;
	s8 =	sadd.s32 s8, s9  }
0x15: {  	vm0 =	vmmov $0xff;
	vm1 =	vcmask $0x3F20;
	s9 =	sadd.s32 $0x1F7C00, s4;
	[sflag:s10] =	ssyncpa.u1 $0x0;
	s10 =	sadd.s32 $0x1, s8  }
.LBB2_6:
0x16: {  	[hbm:s17] =	stream.linear.scatter [tilespmem:s14], [sflag:$0x3], $0x400, $0x38;
	[tilespmem:$0xC990] =	vst v63  }
.LBB2_7:
0x17: {  	s13 =	sadd.s32 $0xC8, s11  }
0x18: {  	s15 =	smov.u32 s1;
	p2 =	slt.s32 s13, s3  }
0x19: {  	s15 =	smov.u32 @p2 s13;
	p2 =	sne.s32 s12, s10  }
.Ltmp1:
0x1a: {  	p1 =	slt.u32 s12, $0x2;
	(pc) =	sbr.rel @!p2 .LBB2_8-.Ltmp1, $4  }
0x1b: {  	s14 =	simm.s32 @!p1 $0x3  }
0x1c: {  	s16 =	sadd.s32 $0x1, s12;
	_ =	swait.ge @!p1 [sflag:s14], $0x6400  }
0x1d: {  	p0 =	por !p0, !p0;
	s13 =	smov.u32 s11;
	[sflag:s14] =	ssyncset.done @!p1 $0x0  }
0x1e: {  	s12 =	smov.u32 s16;
	s11 =	smov.u32 s15;
	[sflag:s14] =	ssyncadd.s32 @!p1 $0xFFFF9C00  }
.LBB2_1:
0x1f: {  	p1 =	sge.u32 s12, s8  }
0x20: {  	s14 =	sxor.u32 @!p1 $0xFFFFFFFF, s12  }
0x21: {  	s14 =	sand.u32 @!p1 $0x1, s14  }
0x22: {  	s14 =	smul.u32 @!p1 $0x320, s14  }
0x23: {  	s31 =	sadd.s32 $0xFFFFFFFF, s12;
	s15 =	sshrl.u32 @!p1 s11, $0x3  }
0x24: {  	s16 =	sand.u32 @!p1 $0x7, s11;
	s15 =	sadd.s32 @!p1 s4, s15;
	s14 =	sshrl.u32 @!p1 s14, $0x2  }
0x25: {  	[tilespmem:s14], [sflag:$0x2] =	stream.linear.gather @!p1 [hbm4b:s15+s16], $0xC8, $0x38;
	[tilespmem:$0xC990] =	vst v63  }
0x26: {  	p1 =	sge.u32 s31, s8  }
.Ltmp2:
0x27: {  	_ = 	snop;
	(pc) =	sbr.rel @p1 .LBB2_7-.Ltmp2, $1  }
0x28: {  	_ =	sdelay $0x3  }
0x29: {  	s14 =	simm.s32 $0x1  }
0x2a: {  	s14 =	simm.s32 @!p0 $0x0  }
0x2b: {  	s15 =	smul.u32 $0x320, s14  }
0x2c: {  	_ =	swait.ge [sflag:s7], $0xC8  }
0x2d: {  	[sflag:s7] =	ssyncset.done $0x0;
	s16 =	sshrl.u32 s15, $0x2  }
0x2e: {  	[sflag:s7] =	ssyncadd.s32 $0xFFFFFF38;
	s15 =	sadd.s32 $0x0, s16  }
0x2f: {  	v0 =	vld.msk [tilespmem:s15+$0x0 ss:$0x1], $0xffff;
	_ =	sdelay $0x4  }
0x30: {  	vm2 =	vgt.s32 v0, $0x0  }
0x31: {  	v0 =	vnsel vm2, $0x0, v0  }
0x32: {  	v0 =	vmin.u32 v0, $0xEFFF  }
0x33: {  	v0 =	vshll.u32 v0, $0x4  }
0x34: {  	s14 =	smul.u32 $0x19000, s14  }
0x35: {  	s31 =	sand.u32 $0x1, s12  }
0x36: {  	s17 =	smul.u32 $0x320, s31;
	s14 =	sshrl.u32 s14, $0x2  }
0x37: {  	s19 =	smul.u32 $0x19000, s31;
	s14 =	sor.u32 $0x190, s14  }
0x38: {  	[tilespmem:s14], [sflag:$0x1] =	stream.indirect_vreg.gather [hbm:s5], $0x80, v0, vm0, $0x38;
	[tilespmem:$0xC990] =	vst v63  }
0x39: {  	s18 =	sshrl.u32 s17, $0x2;
	s20 =	sadd.s32 $0x10, s16;
	s15 =	sadd.s32 $0x400, s14  }
0x3a: {  	[tilespmem:s15], [sflag:$0x1] =	stream.indirect_vreg.gather [hbm:s5], $0x80, v0, vm1, $0x38;
	[tilespmem:$0xC990] =	vst v63  }
0x3b: {  	s17 =	sshrl.u32 s19, $0x2;
	s19 =	smov.u32 s14;
	v0 =	vld.msk [tilespmem:s20+$0x0 ss:$0x1], $0xffff;
	s20 =	simm.s32 $0x80  }
.LBB2_3:
0x3c: {  	p1 =	sne.s32 s20, $0x2C0;
	_ =	sdelay $0x4  }
0x3d: {  	vm2 =	vgt.s32 v0, $0x0  }
0x3e: {  	v0 =	vnsel vm2, $0x0, v0  }
0x3f: {  	v0 =	vmin.u32 v0, $0xEFFF  }
0x40: {  	v0 =	vshll.u32 v0, $0x4;
	_ =	sdelay $0x3  }
.Ltmp3:
0x41: {  	s21 =	sshra.s32 s20, $0x2;
	s19 =	sadd.s32 $0x800, s19;
	(pc) =	sbr.rel @p1 .LBB2_3-.Ltmp3, $4  }
0x42: {  	[tilespmem:s19], [sflag:$0x1] =	stream.indirect_vreg.gather [hbm:s5], $0x80, v0, vm0, $0x38;
	[tilespmem:$0xC990] =	vst v63  }
0x43: {  	s21 =	sadd.s32 s21, s16;
	s22 =	sadd.s32 $0x400, s19  }
0x44: {  	[tilespmem:s22], [sflag:$0x1] =	stream.indirect_vreg.gather [hbm:s5], $0x80, v0, vm1, $0x38;
	[tilespmem:$0xC990] =	vst v63  }
0x45: {  	s20 =	sadd.s32 $0x40, s20;
	v0 =	vld.msk [tilespmem:s21+$0x0 ss:$0x1], $0xffff  }
0x46: {  	_ =	sdelay $0x3  }
0x47: {  	vm2 =	vgt.s32 v0, $0x0  }
0x48: {  	v0 =	vnsel vm2, $0x0, v0  }
0x49: {  	v0 =	vmin.u32 v0, $0xEFFF  }
0x4a: {  	v0 =	vshll.u32 v0, $0x4;
	_ =	sdelay $0x3  }
0x4b: {  	s16 =	sadd.s32 $0x800, s19  }
0x4c: {  	[tilespmem:s16], [sflag:$0x1] =	stream.indirect_vreg.gather [hbm:s5], $0x80, v0, vm0, $0x38;
	[tilespmem:$0xC990] =	vst v63  }
0x4d: {  	s16 =	sadd.s32 $0x400, s16  }
0x4e: {  	[tilespmem:s16], [sflag:$0x1] =	stream.indirect_vreg.gather [hbm:s5], $0x80, v0, vm1, $0x38;
	[tilespmem:$0xC990] =	vst v63  }
0x4f: {  	v0 =	vld.msk [tilespmem:s18+$0xC0 ss:$0x1], $0xff;
	_ =	sdelay $0x4  }
0x50: {  	vm2 =	vgt.s32 v0, $0x0  }
0x51: {  	v0 =	vnsel vm2, $0x0, v0  }
0x52: {  	v0 =	vmin.u32 v0, $0xEFFF  }
0x53: {  	v0 =	vshll.u32 v0, $0x4;
	_ =	sdelay $0x3  }
0x54: {  	s31 =	sadd.s32 $0x6190, s17  }
0x55: {  	[tilespmem:s31], [sflag:$0x1] =	stream.indirect_vreg.gather [hbm:s5], $0x80, v0, vm0, $0x38;
	[tilespmem:$0xC990] =	vst v63  }
0x56: {  	s13 =	sshll.u32 s13, $0x4;
	_ =	swait.ge [sflag:s6], $0x6400  }
0x57: {  	s13 =	sadd.s32 s13, s9;
	[sflag:s6] =	ssyncset.done $0x0  }
0x58: {  	s17 =	sadd.s32 $0x0, s13;
	s16 =	simm.s32 $0x80;
	[sflag:s6] =	ssyncadd.s32 $0xFFFF9C00  }
.LBB2_5:
0x59: {  	[hbm:s17] =	stream.linear.scatter [tilespmem:s14], [sflag:$0x3], $0x400, $0x38;
	[tilespmem:$0xC990] =	vst v63  }
0x5a: {  	s17 =	smov.u32 s16;
	s14 =	smov.u32 s15;
	p1 =	sne.s32 s16, $0xC00  }
.Ltmp4:
0x5b: {  	s16 =	sadd.s32 $0x80, s16;
	(pc) =	sbr.rel @p1 .LBB2_5-.Ltmp4, $2  }
0x5c: {  	_ =	sdelay $0x2  }
0x5d: {  	s15 =	sadd.s32 $0x400, s15;
	s17 =	sadd.s32 s17, s13  }
.Ltmp5:
0x5e: {  	_ = 	snop;
	(pc) =	sbr.rel .LBB2_6-.Ltmp5, $1  }
0x5f: {  	_ =	sdelay $0x3  }
.LBB2_8:
0x60: {  	_ =	sfence.sel $0x180000  }
0x61: {  	s1 =	simm.s32 $0x2;
	[bflag:$0x0] =	sbarrier.arrive $0xFFFF  }
0x62: {  	s30 =	simm.s32 $0x3;
	[sflag:s1] =	ssyncpa.u1 $0x1  }
0x63: {  	s31 =	simm.s32 $0x1;
	[sflag:s30] =	ssyncpa.u1 $0x1  }
0x64: {  	[sflag:s31] =	ssyncpa.u1 $0x1  }
0x65: {  	p0 =	sne.s32 s0, $0x0;
	_ =	strace $0x9000004A  }
0x66: {  	s0 =	sadd.s32 @!p0 $0x100000, s2;
	[bflag:$0x2] =	sbarrier.arrive $0xFFFF  }
0x67: {  	[sflag:s0] =	ssyncadd.tile.s32 @!p0 $0x1;
	_ =	shalt  }
.Lfunc_end2:
_tile_overlayer_lowered:
.L_overlay_start_2:
0x68: {  	(tag) =	ssettag $0x2  }
0x69: {  	s0 =	rddreg [dreg:$0x0];
	s2 =	stileid.u32  }
0x6a: {  	s1 =	rddreg [dreg:$0x1];
	p0 =	sne.s32 s2, $0x0  }
0x6b: {  	s3 =	rddreg [dreg:$0x2];
	[bflag:$0x3] =	sbarrier.arrive $0xFFFF;
	s2 =	simm.s32 @!p0 $0x1C01  }
0x6c: {  	[timem:s3], [sflag:s2] =	dma.local @!p0 [hbm:s0], s1  }
0x6d: {  	s0 =	simm.s32 @!p0 $0x1  }
0x6e: {  	_ =	swait.ge @!p0 [sflag:s0], s1  }
0x6f: {  	s1 =	ssub.s32 @!p0 $0x0, s1;
	[sflag:s0] =	ssyncset.done @!p0 $0x0  }
0x70: {  	[sflag:s0] =	ssyncadd.s32 @!p0 s1  }
0x71: {  	[bflag:$0x3] =	sbarrier.arrive $0xFFFF  }
0x72: {  	_ =	shalt  }

// kernel: gather_offload_async_start
scs
__scs_entry_jumppad:
0x0: {  	(pc) =	sbr.rel $0x88, $3  }
0x1: {  	(tag) =	ssettag $0x0;
	lr =	simm.s32 $0x1  }
0x2: {  	[smem:$0x3F99] =	sst lr;
	_ =	strace $0xD0000000  }
0x3: {  	_ = 	snop  }
0x4: {  	_ = 	snop  }
0x5: {  	_ = 	snop  }
0x6: {  	_ = 	snop  }
0x7: {  	_ = 	snop  }
__scs_overlays_trampoline_lowered:
0x8: {  	[smem:$0x3FA8] =	sst s0  }
0x9: {  	[smem:$0x3FA9] =	sst s1  }
0xa: {  	[smem:$0x3FAA] =	sst s2  }
0xb: {  	[smem:$0x3FAB] =	sst s3  }
0xc: {  	[smem:$0x3FAC] =	sst s4  }
0xd: {  	[smem:$0x3FAD] =	sst s5  }
0xe: {  	[smem:$0x3FAE] =	sst s6  }
0xf: {  	[smem:$0x3FAF] =	sst s7  }
0x10: {  	[smem:$0x3FB0] =	sst s8  }
0x11: {  	[smem:$0x3FB1] =	sst s9;
	s0 =	simm.s32 @!p0 $0x0  }
0x12: {  	s1 =	sld [smem:$0x3F97];
	s0 =	simm.s32 @p0 $0x1  }
0x13: {  	[smem:$0x3FB2] =	sst s0;
	s0 =	simm.s32 @!p1 $0x0  }
0x14: {  	s2 =	sld [smem:$0x3F96];
	s0 =	simm.s32 @p1 $0x1  }
0x15: {  	[smem:$0x3FB3] =	sst s0;
	s0 =	simm.s32 @!p2 $0x0  }
0x16: {  	s3 =	sld [smem:$0x3FDB];
	s0 =	simm.s32 @p2 $0x1  }
0x17: {  	s4 =	simm.s32 $0x1BF5;
	[smem:$0x3FB5] =	sst s0  }
0x18: {  	s0 =	sld [smem:$0x3F98];
	_ =	swait.ge [sflag:s4], $0x0  }
0x19: {  	s7 =	sld [smem:$0x3F99]  }
0x1a: {  	s8 =	sadd.s32 $0xFFFFE003, lr  }
0x1b: {  	s9 =	sadd.s32 $0xFFFFFEF7, lr;
	s5 =	simm.s32 $0xFFFFFFFF;
	p2 =	slt.u32 s8, $0xFFFFF086  }
0x1c: {  	p1 =	slt.u32 s9, $0xF7A;
	s5 =	simm.s32 @!p2 $0x0  }
0x1d: {  	s5 =	simm.s32 @p1 $0x1;
	p0 =	seq.s32 s7, s2  }
0x1e: {  	s7 =	smul.u32 @!p0 $0xF7A, s2;
	p2 =	seq.s32 @!p0 s5, $0x0  }
0x1f: {  	s9 =	smul.u32 $0xF7A, s1;
	s8 =	simm.s32 @!p0 $0x1BF5;
	p2 =	por !p2, p0  }
0x20: {  	[sflag:s8] =	ssyncset.s32 @!p0 $0xFFFFF086;
	s6 =	sadd.s32 @!p0 s3, s7;
	s7 =	simm.s32 @!p0 $0x108  }
0x21: {  	s3 =	sadd.s32 s3, s9;
	s6 =	sadd.s32 @!p0 $0x88, s6;
	s7 =	simm.s32 @p2 $0x1082  }
0x22: {  	[simem:s7], [sflag:s8] =	dma.local @!p0 [hbm:s6], $0xF7A  }
0x23: {  	s9 =	sor.u32 $0xD0000000, s2;
	s6 =	simm.s32 $0x108;
	_ =	swait.ge @!p0 [sflag:s8], $0x0  }
0x24: {  	s3 =	sadd.s32 $0x88, s3;
	s6 =	simm.s32 @!p1 $0x1082;
	[sflag:s4] =	ssyncset.s32 $0xFFFFF086  }
0x25: {  	[simem:s6], [sflag:s4] =	dma.local [hbm:s3], $0xF7A  }
0x26: {  	[smem:$0x3F99] =	sst s1;
	(tag) =	ssettag s2;
	_ =	strace s9  }
0x27: {  	s1 =	sld [smem:$0x3FA9]  }
0x28: {  	s2 =	sld [smem:$0x3FAA]  }
0x29: {  	s4 =	sld [smem:$0x3FAC]  }
0x2a: {  	p0 =	seq.s32 s5, $0x0;
	s5 =	sld [smem:$0x3FAD]  }
0x2b: {  	s6 =	sld [smem:$0x3FAE]  }
0x2c: {  	s7 =	sld [smem:$0x3FAF]  }
0x2d: {  	s3 =	simm.s32 $0x108;
	s8 =	sld [smem:$0x3FB0]  }
0x2e: {  	s3 =	simm.s32 @!p0 $0x1082;
	s9 =	sld [smem:$0x3FB1]  }
0x2f: {  	lr =	sadd.s32 s0, s3;
	s0 =	sld [smem:$0x3FA8]  }
0x30: {  	s3 =	sld [smem:$0x3FAB]  }
0x31: {  	[smem:$0x3FB4] =	sst s10  }
0x32: {  	s10 =	sld [smem:$0x3FB2];
	_ =	sdelay $0x3  }
0x33: {  	p0 =	seq.s32 s10, $0x1;
	s10 =	sld [smem:$0x3FB4];
	_ =	sdelay $0x3  }
0x34: {  	[smem:$0x3FB4] =	sst s10  }
0x35: {  	s10 =	sld [smem:$0x3FB3];
	_ =	sdelay $0x3  }
0x36: {  	p1 =	seq.s32 s10, $0x1;
	s10 =	sld [smem:$0x3FB4];
	_ =	sdelay $0x3  }
0x37: {  	[smem:$0x3FB4] =	sst s10  }
0x38: {  	s10 =	sld [smem:$0x3FB5]  }
0x39: {  	_ = 	snop;
	(pc) =	sbr.ind lr, $3  }
0x3a: {  	_ = 	snop  }
0x3b: {  	_ = 	snop  }
0x3c: {  	p2 =	seq.s32 s10, $0x1;
	s10 =	sld [smem:$0x3FB4]  }
0x3d: {  	_ =	shalt  }
0x3e: {  	_ =	shalt  }
0x3f: {  	_ =	shalt  }
0x40: {  	_ =	shalt  }
0x41: {  	_ =	shalt  }
0x42: {  	_ =	shalt  }
0x43: {  	_ =	shalt  }
0x44: {  	_ =	shalt  }
0x45: {  	_ =	shalt  }
0x46: {  	_ =	shalt  }
0x47: {  	_ =	shalt  }
0x48: {  	_ =	shalt  }
0x49: {  	_ =	shalt  }
0x4a: {  	_ =	shalt  }
0x4b: {  	_ =	shalt  }
0x4c: {  	_ =	shalt  }
0x4d: {  	_ =	shalt  }
0x4e: {  	_ =	shalt  }
0x4f: {  	_ =	shalt  }
0x50: {  	_ =	shalt  }
0x51: {  	_ =	shalt  }
0x52: {  	_ =	shalt  }
0x53: {  	_ =	shalt  }
0x54: {  	_ =	shalt  }
0x55: {  	_ =	shalt  }
0x56: {  	_ =	shalt  }
0x57: {  	_ =	shalt  }
0x58: {  	_ =	shalt  }
0x59: {  	_ =	shalt  }
0x5a: {  	_ =	shalt  }
0x5b: {  	_ =	shalt  }
0x5c: {  	_ =	shalt  }
0x5d: {  	_ =	shalt  }
0x5e: {  	_ =	shalt  }
0x5f: {  	_ =	shalt  }
0x60: {  	_ =	shalt  }
0x61: {  	_ =	shalt  }
0x62: {  	_ =	shalt  }
0x63: {  	_ =	shalt  }
0x64: {  	_ =	shalt  }
0x65: {  	_ =	shalt  }
0x66: {  	_ =	shalt  }
0x67: {  	_ =	shalt  }
0x68: {  	_ =	shalt  }
0x69: {  	_ =	shalt  }
0x6a: {  	_ =	shalt  }
0x6b: {  	_ =	shalt  }
0x6c: {  	_ =	shalt  }
0x6d: {  	_ =	shalt  }
0x6e: {  	_ =	shalt  }
0x6f: {  	_ =	shalt  }
0x70: {  	_ =	shalt  }
0x71: {  	_ =	shalt  }
0x72: {  	_ =	shalt  }
0x73: {  	_ =	shalt  }
0x74: {  	_ =	shalt  }
0x75: {  	_ =	shalt  }
0x76: {  	_ =	shalt  }
0x77: {  	_ =	shalt  }
0x78: {  	_ =	shalt  }
0x79: {  	_ =	shalt  }
0x7a: {  	_ =	shalt  }
0x7b: {  	_ =	shalt  }
0x7c: {  	_ =	shalt  }
0x7d: {  	_ =	shalt  }
0x7e: {  	_ =	shalt  }
0x7f: {  	_ =	shalt  }
0x80: {  	_ =	shalt  }
0x81: {  	_ =	shalt  }
0x82: {  	_ =	shalt  }
0x83: {  	_ =	shalt  }
0x84: {  	_ =	shalt  }
0x85: {  	_ =	shalt  }
0x86: {  	_ =	shalt  }
0x87: {  	_ =	shalt  }
.Lfunc_end0:
.L_simem_size_0:
called_computation_lowered:
.L_overlay_start_0:
0x88: {  	s0 =	sld [smem:$0x3FD9]  }
0x89: {  	s1 =	sld [smem:$0x3FFE];
	_ =	sdelay $0x3  }
0x8a: {  	s0 =	sadd.s32 s1, s0  }
0x8b: {  	[smem:$0x3FC0] =	sst s0  }
0x8c: {  	_ = 	snop  }
0x8d: {  	(tm) =	ssettm $0x1  }
0x8e: {  	s15 =	sld [smem:$0x3FFB];
	_ =	sdelay $0x3  }
0x8f: {  	_ =	strace s15  }
0x90: {  	s0 =	sld [smem:$0x3FFC];
	_ =	sdelay $0x3  }
0x91: {  	_ =	strace s0  }
0x92: {  	s0 =	sld [smem:$0x3FFD];
	_ =	sdelay $0x3  }
0x93: {  	_ =	strace s0  }
0x94: {  	_ =	strace $0x8FFFFFFF  }
0x95: {  	s16 =	sld [smem:$0x3FDB];
	_ =	sdelay $0x1  }
0x96: {  	s17 =	simm.s32 $_scs_section_size  }
0x97: {  	s2 =	simm.s32 $_size__tile_overlayer_lowered;
	s3 =	simm.s32 $_tile_overlayer_lowered  }
0x98: {  	s20 =	simm.s32 $0x1BFF;
	s19 =	sshll.u32 s3, $0x1;
	s0 =	sadd.s32 s17, s16  }
0x99: {  	s4 =	simm.s32 $0x0;
	s18 =	sshll.u32 s2, $0x1;
	s2 =	sadd.s32 s19, s0  }
0x9a: {  	[timem:s4], [sflag:s20] =	dma.local [hbm:s2], s18  }
0x9b: {  	_ =	swait.ge [sflag:s20], s18  }
0x9c: {  	s1 =	ssub.s32 $0x0, s18;
	[sflag:s20] =	ssyncset.done $0x0  }
0x9d: {  	[sflag:s20] =	ssyncadd.s32 s1;
	_ =	sdelay $0x1  }
0x9e: {  	s21 =	simm.s32 $0x1B8B  }
0x9f: {  	_ =	swait.ge [sflag:s21], $0x1  }
0xa0: {  	[sflag:s21] =	ssyncset.done $0x0  }
0xa1: {  	s23 =	simm.s32 $0x1B8E;
	s22 =	sld [smem:$0x3FFE];
	[sflag:s21] =	ssyncadd.s32 $0xFFFFFFFF  }
0xa2: {  	s24 =	simm.s32 $execute0_lowered;
	[smem:$0x3FD2] =	sst s23  }
0xa3: {  	s2 =	sshll.u32 s24, $0x1;
	_ =	strace $0x80000046;
	[dreg:$0x1] =	wrdreg $0xFFFFFFFF  }
0xa4: {  	s25 =	simm.s32 $_size_execute0_lowered;
	s0 =	sadd.s32 s0, s2;
	[dreg:$0x0] =	wrdreg $0x0  }
0xa5: {  	s2 =	sshll.u32 s25, $0x1;
	[dreg:$0x2] =	wrdreg s0  }
0xa6: {  	[dreg:$0x3] =	wrdreg s2  }
0xa7: {  	[dreg:$0x4] =	wrdreg $0xC0  }
0xa8: {  	_ =	task [dreg:s4], $0x5FFFF  }
0xa9: {  	[dreg:$0x1] =	wrdreg $0xFFFFFFFF  }
0xaa: {  	[dreg:$0x0] =	wrdreg $0x60  }
0xab: {  	[dreg:$0x2] =	wrdreg s22  }
0xac: {  	[dreg:$0x3] =	wrdreg $0x9  }
0xad: {  	_ =	task.clear_ibuf [dreg:s4], $0x4FFFF;
	_ =	strace $0x90000046  }
0xae: {  	s26 =	simm.s32 $0x9;
	_ =	strace $0x80000048  }
0xaf: {  	_ =	swait.ge [sflag:s26], $0x1  }
0xb0: {  	[sflag:s26] =	ssyncadd.s32 $0xFFFFFFFF  }
0xb1: {  	_ =	strace $0x90000048  }
0xb2: {  	_ =	sfence  }
0xb3: {  	s28 =	sld [smem:$0x0];
	_ =	sdelay $0x1  }
0xb4: {  	s29 =	srdreg.scid  }
0xb5: {  	s30 =	sshll.u32 s29, $0xD;
	s31 =	sshrl.u32 s29, $0x2  }
0xb6: {  	s1 =	sand.u32 $0x1, s29;
	s2 =	sand.u32 $0x4000, s30;
	s0 =	sadd.s32 s31, s28  }
0xb7: {  	s1 =	sor.u32 s2, s1;
	s0 =	sshll.u32 s0, $0x11  }
0xb8: {  	s0 =	sor.u32 s0, s1  }
0xb9: {  	s0 =	sadd.s32 $0x8F2B, s0  }
0xba: {  	[sflag:s0] =	ssyncadd.remote.s32 $0x1  }
0xbb: {  	_ =	sfence.sel $0xFFFF  }
0xbc: {  	[dreg:$0x0] =	wrdreg $0xFFFFFFFF;
	(pc) =	sbr.abs _section_cstart, $3  }
0xbd: {  	[dreg:$0x1] =	wrdreg $0xFFFFFFFF  }
0xbe: {  	_ =	task.clear_ibuf [dreg:s4], $0x2FFFF;
	_ =	strace $0x9FFFFFFF  }
0xbf: {  	(tm) =	ssettm $0x7FFFFFFF  }
tec
execute0_lowered:
.L_overlay_start_1:
0x0: {  	(tag) =	ssettag $0x1  }
0x1: {  	s0 =	stileid.u32  }
0x2: {  	s1 =	smin.u32 s0, $0xE  }
0x3: {  	s1 =	sadd.s32 s0, s1  }
0x4: {  	s2 =	simm.s32 $0x190;
	p0 =	slt.u32 s0, $0xE;
	s1 =	smul.u32 $0xC8, s1  }
0x5: {  	s2 =	simm.s32 @!p0 $0xC8  }
0x6: {  	s2 =	sadd.s32 s2, s1  }
0x7: {  	s3 =	smin.u32 s2, $0x1770  }
0x8: {  	s7 =	ssub.s32 s3, s1  }
0x9: {  	p0 =	sgt.s32 s7, $0x0  }
0xa: {  	s7 =	simm.s32 @!p0 $0x0  }
0xb: {  	s31 =	sand.u32 $0xFFF8, s7  }
0xc: {  	s2 =	sshrl.u32 s31, $0x3  }
0xd: {  	s2 =	smul.u32 $0x147B, s2  }
0xe: {  	s4 =	rddreg [dreg:$0x0];
	s6 =	simm.s32 $0x1  }
0xf: {  	s10 =	simm.s32 $0x3;
	s13 =	simm.s32 $0x0;
	s8 =	sshrl.u32 s2, $0x11  }
0x10: {  	s12 =	simm.s32 $0x0;
	s5 =	sadd.s32 $0x400, s4;
	s9 =	smul.u32 $0xC8, s8  }
.Ltmp0:
0x11: {  	s11 =	smov.u32 s1;
	s2 =	rddreg [dreg:$0x1];
	(pc) =	sbr.rel .LBB2_1-.Ltmp0, $4  }
0x12: {  	_ =	strace $0x80000047;
	p0 =	sne.s32 s7, s9;
	s9 =	simm.s32 $0x1  }
0x13: {  	[sflag:s6] =	ssyncpa.u1 $0x0;
	s7 =	simm.s32 $0x2;
	s9 =	simm.s32 @!p0 $0x0  }
0x14: {  	[sflag:s7] =	ssyncpa.u1 $0x0;
	p0 =	por $0x0, $0x0;
	s8 =	sadd.s32 s8, s9  }
0x15: {  	vm0 =	vmmov $0xff;
	vm1 =	vcmask $0x3F20;
	s9 =	sadd.s32 $0xF0400, s4;
	[sflag:s10] =	ssyncpa.u1 $0x0;
	s10 =	sadd.s32 $0x1, s8  }
.LBB2_6:
0x16: {  	[hbm:s17] =	stream.linear.scatter [tilespmem:s14], [sflag:$0x3], $0x400, $0x38;
	[tilespmem:$0xC990] =	vst v63  }
.LBB2_7:
0x17: {  	s13 =	sadd.s32 $0xC8, s11  }
0x18: {  	s15 =	smov.u32 s1;
	p2 =	slt.s32 s13, s3  }
0x19: {  	s15 =	smov.u32 @p2 s13;
	p2 =	sne.s32 s12, s10  }
.Ltmp1:
0x1a: {  	p1 =	slt.u32 s12, $0x2;
	(pc) =	sbr.rel @!p2 .LBB2_8-.Ltmp1, $4  }
0x1b: {  	s14 =	simm.s32 @!p1 $0x3  }
0x1c: {  	s16 =	sadd.s32 $0x1, s12;
	_ =	swait.ge @!p1 [sflag:s14], $0x6400  }
0x1d: {  	p0 =	por !p0, !p0;
	s13 =	smov.u32 s11;
	[sflag:s14] =	ssyncset.done @!p1 $0x0  }
0x1e: {  	s12 =	smov.u32 s16;
	s11 =	smov.u32 s15;
	[sflag:s14] =	ssyncadd.s32 @!p1 $0xFFFF9C00  }
.LBB2_1:
0x1f: {  	p1 =	sge.u32 s12, s8  }
0x20: {  	s14 =	sxor.u32 @!p1 $0xFFFFFFFF, s12  }
0x21: {  	s14 =	sand.u32 @!p1 $0x1, s14  }
0x22: {  	s14 =	smul.u32 @!p1 $0x320, s14  }
0x23: {  	s31 =	sadd.s32 $0xFFFFFFFF, s12;
	s15 =	sshrl.u32 @!p1 s11, $0x3  }
0x24: {  	s16 =	sand.u32 @!p1 $0x7, s11;
	s15 =	sadd.s32 @!p1 s4, s15;
	s14 =	sshrl.u32 @!p1 s14, $0x2  }
0x25: {  	[tilespmem:s14], [sflag:$0x2] =	stream.linear.gather @!p1 [hbm4b:s15+s16], $0xC8, $0x38;
	[tilespmem:$0xC990] =	vst v63  }
0x26: {  	p1 =	sge.u32 s31, s8  }
.Ltmp2:
0x27: {  	_ = 	snop;
	(pc) =	sbr.rel @p1 .LBB2_7-.Ltmp2, $1  }
0x28: {  	_ =	sdelay $0x3  }
0x29: {  	s14 =	simm.s32 $0x1  }
0x2a: {  	s14 =	simm.s32 @!p0 $0x0  }
0x2b: {  	s15 =	smul.u32 $0x320, s14  }
0x2c: {  	_ =	swait.ge [sflag:s7], $0xC8  }
0x2d: {  	[sflag:s7] =	ssyncset.done $0x0;
	s16 =	sshrl.u32 s15, $0x2  }
0x2e: {  	[sflag:s7] =	ssyncadd.s32 $0xFFFFFF38;
	s15 =	sadd.s32 $0x0, s16  }
0x2f: {  	v0 =	vld.msk [tilespmem:s15+$0x0 ss:$0x1], $0xffff;
	_ =	sdelay $0x4  }
0x30: {  	vm2 =	vgt.s32 v0, $0x0  }
0x31: {  	v0 =	vnsel vm2, $0x0, v0  }
0x32: {  	v0 =	vmin.u32 v0, $0xEFFF  }
0x33: {  	v0 =	vshll.u32 v0, $0x4  }
0x34: {  	s14 =	smul.u32 $0x19000, s14  }
0x35: {  	s31 =	sand.u32 $0x1, s12  }
0x36: {  	s17 =	smul.u32 $0x320, s31;
	s14 =	sshrl.u32 s14, $0x2  }
0x37: {  	s19 =	smul.u32 $0x19000, s31;
	s14 =	sor.u32 $0x190, s14  }
0x38: {  	[tilespmem:s14], [sflag:$0x1] =	stream.indirect_vreg.gather [hbm:s5], $0x80, v0, vm0, $0x38;
	[tilespmem:$0xC990] =	vst v63  }
0x39: {  	s18 =	sshrl.u32 s17, $0x2;
	s20 =	sadd.s32 $0x10, s16;
	s15 =	sadd.s32 $0x400, s14  }
0x3a: {  	[tilespmem:s15], [sflag:$0x1] =	stream.indirect_vreg.gather [hbm:s5], $0x80, v0, vm1, $0x38;
	[tilespmem:$0xC990] =	vst v63  }
0x3b: {  	s17 =	sshrl.u32 s19, $0x2;
	s19 =	smov.u32 s14;
	v0 =	vld.msk [tilespmem:s20+$0x0 ss:$0x1], $0xffff;
	s20 =	simm.s32 $0x80  }
.LBB2_3:
0x3c: {  	p1 =	sne.s32 s20, $0x2C0;
	_ =	sdelay $0x4  }
0x3d: {  	vm2 =	vgt.s32 v0, $0x0  }
0x3e: {  	v0 =	vnsel vm2, $0x0, v0  }
0x3f: {  	v0 =	vmin.u32 v0, $0xEFFF  }
0x40: {  	v0 =	vshll.u32 v0, $0x4;
	_ =	sdelay $0x3  }
.Ltmp3:
0x41: {  	s21 =	sshra.s32 s20, $0x2;
	s19 =	sadd.s32 $0x800, s19;
	(pc) =	sbr.rel @p1 .LBB2_3-.Ltmp3, $4  }
0x42: {  	[tilespmem:s19], [sflag:$0x1] =	stream.indirect_vreg.gather [hbm:s5], $0x80, v0, vm0, $0x38;
	[tilespmem:$0xC990] =	vst v63  }
0x43: {  	s21 =	sadd.s32 s21, s16;
	s22 =	sadd.s32 $0x400, s19  }
0x44: {  	[tilespmem:s22], [sflag:$0x1] =	stream.indirect_vreg.gather [hbm:s5], $0x80, v0, vm1, $0x38;
	[tilespmem:$0xC990] =	vst v63  }
0x45: {  	s20 =	sadd.s32 $0x40, s20;
	v0 =	vld.msk [tilespmem:s21+$0x0 ss:$0x1], $0xffff  }
0x46: {  	_ =	sdelay $0x3  }
0x47: {  	vm2 =	vgt.s32 v0, $0x0  }
0x48: {  	v0 =	vnsel vm2, $0x0, v0  }
0x49: {  	v0 =	vmin.u32 v0, $0xEFFF  }
0x4a: {  	v0 =	vshll.u32 v0, $0x4;
	_ =	sdelay $0x3  }
0x4b: {  	s16 =	sadd.s32 $0x800, s19  }
0x4c: {  	[tilespmem:s16], [sflag:$0x1] =	stream.indirect_vreg.gather [hbm:s5], $0x80, v0, vm0, $0x38;
	[tilespmem:$0xC990] =	vst v63  }
0x4d: {  	s16 =	sadd.s32 $0x400, s16  }
0x4e: {  	[tilespmem:s16], [sflag:$0x1] =	stream.indirect_vreg.gather [hbm:s5], $0x80, v0, vm1, $0x38;
	[tilespmem:$0xC990] =	vst v63  }
0x4f: {  	v0 =	vld.msk [tilespmem:s18+$0xC0 ss:$0x1], $0xff;
	_ =	sdelay $0x4  }
0x50: {  	vm2 =	vgt.s32 v0, $0x0  }
0x51: {  	v0 =	vnsel vm2, $0x0, v0  }
0x52: {  	v0 =	vmin.u32 v0, $0xEFFF  }
0x53: {  	v0 =	vshll.u32 v0, $0x4;
	_ =	sdelay $0x3  }
0x54: {  	s31 =	sadd.s32 $0x6190, s17  }
0x55: {  	[tilespmem:s31], [sflag:$0x1] =	stream.indirect_vreg.gather [hbm:s5], $0x80, v0, vm0, $0x38;
	[tilespmem:$0xC990] =	vst v63  }
0x56: {  	s13 =	sshll.u32 s13, $0x4;
	_ =	swait.ge [sflag:s6], $0x6400  }
0x57: {  	s13 =	sadd.s32 s13, s9;
	[sflag:s6] =	ssyncset.done $0x0  }
0x58: {  	s17 =	sadd.s32 $0x0, s13;
	s16 =	simm.s32 $0x80;
	[sflag:s6] =	ssyncadd.s32 $0xFFFF9C00  }
.LBB2_5:
0x59: {  	[hbm:s17] =	stream.linear.scatter [tilespmem:s14], [sflag:$0x3], $0x400, $0x38;
	[tilespmem:$0xC990] =	vst v63  }
0x5a: {  	s17 =	smov.u32 s16;
	s14 =	smov.u32 s15;
	p1 =	sne.s32 s16, $0xC00  }
.Ltmp4:
0x5b: {  	s16 =	sadd.s32 $0x80, s16;
	(pc) =	sbr.rel @p1 .LBB2_5-.Ltmp4, $2  }
0x5c: {  	_ =	sdelay $0x2  }
0x5d: {  	s15 =	sadd.s32 $0x400, s15;
	s17 =	sadd.s32 s17, s13  }
.Ltmp5:
0x5e: {  	_ = 	snop;
	(pc) =	sbr.rel .LBB2_6-.Ltmp5, $1  }
0x5f: {  	_ =	sdelay $0x3  }
.LBB2_8:
0x60: {  	_ =	sfence.sel $0x180000  }
0x61: {  	s1 =	simm.s32 $0x2;
	[bflag:$0x0] =	sbarrier.arrive $0xFFFF  }
0x62: {  	s30 =	simm.s32 $0x3;
	[sflag:s1] =	ssyncpa.u1 $0x1  }
0x63: {  	s31 =	simm.s32 $0x1;
	[sflag:s30] =	ssyncpa.u1 $0x1  }
0x64: {  	[sflag:s31] =	ssyncpa.u1 $0x1  }
0x65: {  	p0 =	sne.s32 s0, $0x0;
	_ =	strace $0x90000047  }
0x66: {  	s0 =	sadd.s32 @!p0 $0x100000, s2;
	[bflag:$0x2] =	sbarrier.arrive $0xFFFF  }
0x67: {  	[sflag:s0] =	ssyncadd.tile.s32 @!p0 $0x1;
	_ =	shalt  }
.Lfunc_end2:
_tile_overlayer_lowered:
.L_overlay_start_2:
0x68: {  	(tag) =	ssettag $0x2  }
0x69: {  	s0 =	rddreg [dreg:$0x0];
	s2 =	stileid.u32  }
0x6a: {  	s1 =	rddreg [dreg:$0x1];
	p0 =	sne.s32 s2, $0x0  }
0x6b: {  	s3 =	rddreg [dreg:$0x2];
	[bflag:$0x3] =	sbarrier.arrive $0xFFFF;
	s2 =	simm.s32 @!p0 $0x1C01  }
0x6c: {  	[timem:s3], [sflag:s2] =	dma.local @!p0 [hbm:s0], s1  }
0x6d: {  	s0 =	simm.s32 @!p0 $0x1  }
0x6e: {  	_ =	swait.ge @!p0 [sflag:s0], s1  }
0x6f: {  	s1 =	ssub.s32 @!p0 $0x0, s1;
	[sflag:s0] =	ssyncset.done @!p0 $0x0  }
0x70: {  	[sflag:s0] =	ssyncadd.s32 @!p0 s1  }
0x71: {  	[bflag:$0x3] =	sbarrier.arrive $0xFFFF  }
0x72: {  	_ =	shalt  }

</sc_bundles>
